<compile_context>
chip_gen: v7x
topology: tpu7x:2x2x1
jax: 0.10.2.dev20260603
libtpu: 0.0.44.dev20260713+nightly
codegen_flags: <defaults>
</compile_context>

<pallas_src>
import functools

import jax
import jax.numpy as jnp
from jax import lax
from jax.experimental import pallas as pl
from jax.experimental.pallas import tpu as pltpu
from jax.experimental.pallas import tpu_sc as plsc

_CHUNK = 96
_NT = 16
_NC = 2


def _round_up(v, m):
    return (v + m - 1) // m * m



@functools.partial(jax.jit, static_argnames=("n", "e_pad"))
def _sc_degree(col2d, ew2d, zeros_n, *, n, e_pad):
    nw = _NC * _NT
    nct = e_pad // _CHUNK // nw
    blk = _round_up(-(-n // _NT), 128)
    n_pad = blk * _NT
    ring = 8
    mesh = plsc.VectorSubcoreMesh(core_axis_name="c", subcore_axis_name="s")

    @functools.partial(
        pl.kernel,
        mesh=mesh,
        out_type=jax.ShapeDtypeStruct((_NC, 1, n_pad), jnp.float32),
        scratch_types=[
            pltpu.VMEM((nct, 1, _CHUNK), jnp.int32),
            pltpu.VMEM((nct, 1, _CHUNK), jnp.float32),
            pltpu.VMEM_SHARED((n_pad,), jnp.float32),
            pltpu.SemaphoreType.DMA,
        ],
    )
    def deg_kernel(col_hbm, ew_hbm, z_hbm, out_hbm, cidx_all, ew_all, acc, sem):
        cid = lax.axis_index("c")
        sid = lax.axis_index("s")
        wid = sid * _NC + cid

        pltpu.sync_copy(z_hbm.at[pl.ds(sid * blk, blk)],
                        acc.at[pl.ds(sid * blk, blk)])
        pltpu.sync_copy(col_hbm.at[pl.ds(wid * nct, nct)], cidx_all)
        pltpu.sync_copy(ew_hbm.at[pl.ds(wid * nct, nct)], ew_all)
        plsc.subcore_barrier()

        def chunk_body(j, carry):
            pltpu.async_copy(ew_all.at[j, 0], acc.at[cidx_all.at[j, 0]], sem,
                             add=True)

            @pl.when(j >= ring)
            def _():
                pltpu.make_async_copy(z_hbm.at[pl.ds(0, _CHUNK)],
                                      ew_all.at[0, 0], sem).wait()

            return carry

        lax.fori_loop(0, nct, chunk_body, 0)
        for _ in range(min(ring, nct)):
            pltpu.make_async_copy(z_hbm.at[pl.ds(0, _CHUNK)],
                                  ew_all.at[0, 0], sem).wait()
        plsc.subcore_barrier()

        pltpu.sync_copy(acc.at[pl.ds(sid * blk, blk)],
                        out_hbm.at[cid, 0, pl.ds(sid * blk, blk)])

    return deg_kernel(col2d, ew2d, zeros_n)


@functools.partial(jax.jit, static_argnames=("n", "e_pad", "fh_active"))
def _sc_spmm(g_tab, packed2d, ew2d, zeros_nf, *, n, e_pad, fh_active):
    fh = g_tab.shape[1]
    nw = _NC * _NT
    nct = e_pad // _CHUNK // nw
    blk = _round_up(-(-n // _NT), 128)
    n_pad = blk * _NT
    mesh = plsc.VectorSubcoreMesh(core_axis_name="c", subcore_axis_name="s")

    @functools.partial(
        pl.kernel,
        mesh=mesh,
        out_type=jax.ShapeDtypeStruct((_NC, n_pad, fh), jnp.float32),
        scratch_types=[
            pltpu.VMEM((3, 1, _CHUNK), jnp.int32),
            pltpu.VMEM((3, 1, _CHUNK), jnp.float32),
            pltpu.VMEM((3, 1, _CHUNK), jnp.int32),
            pltpu.VMEM((3, 1, _CHUNK), jnp.int32),
            pltpu.VMEM((3, _CHUNK, fh), jnp.float32),
            pltpu.VMEM_SHARED((n_pad, fh), jnp.float32),
            pltpu.SemaphoreType.DMA,
            pltpu.SemaphoreType.DMA,
            pltpu.SemaphoreType.DMA,
            pltpu.SemaphoreType.DMA,
            pltpu.SemaphoreType.DMA,
            pltpu.SemaphoreType.DMA,
            pltpu.SemaphoreType.DMA,
            pltpu.SemaphoreType.DMA,
            pltpu.SemaphoreType.DMA,
        ],
    )
    def spmm_kernel(g_hbm, packed_hbm, ew_hbm, z_hbm, out_hbm,
                    pk_ring, ew_ring, ridx_ring, cidx_ring, rows3, acc,
                    gs0, gs1, gs2, ss0, ss1, ss2, is0, is1, is2):
        cid = lax.axis_index("c")
        sid = lax.axis_index("s")
        wid = sid * _NC + cid
        gsems = (gs0, gs1, gs2)
        ssems = (ss0, ss1, ss2)
        isems = (is0, is1, is2)
        cbase = wid * nct

        pltpu.sync_copy(z_hbm.at[pl.ds(sid * blk, blk)],
                        acc.at[pl.ds(sid * blk, blk)])

        def idxload_start(j, b):
            pltpu.async_copy(packed_hbm.at[pl.ds(cbase + j, 1)],
                             pk_ring.at[pl.ds(b, 1)], isems[b])
            pltpu.async_copy(ew_hbm.at[pl.ds(cbase + j, 1)],
                             ew_ring.at[pl.ds(b, 1)], isems[b])

        def idxload_wait(b):
            pltpu.make_async_copy(packed_hbm.at[pl.ds(0, 1)],
                                  pk_ring.at[pl.ds(b, 1)], isems[b]).wait()
            pltpu.make_async_copy(ew_hbm.at[pl.ds(0, 1)],
                                  ew_ring.at[pl.ds(b, 1)], isems[b]).wait()

        def unpack(b):
            for q in range(_CHUNK // 16):
                sl = pl.ds(q * 16, 16)
                p = pk_ring[b, 0, sl]
                ridx_ring[b, 0, sl] = p & 0x3FFF
                cidx_ring[b, 0, sl] = lax.shift_right_logical(p, 14)

        def gather_start(b):
            pltpu.async_copy(g_hbm.at[ridx_ring.at[b, 0]], rows3.at[b],
                             gsems[b])

        def gather_wait(b):
            pltpu.make_async_copy(g_hbm.at[pl.ds(0, _CHUNK)], rows3.at[b],
                                  gsems[b]).wait()

        def scatter_start(b):
            pltpu.async_copy(rows3.at[b], acc.at[cidx_ring.at[b, 0]],
                             ssems[b], add=True)

        def scatter_wait(b):
            pltpu.make_async_copy(g_hbm.at[pl.ds(0, _CHUNK)], rows3.at[b],
                                  ssems[b]).wait()

        def compute(b):
            def group_body(gi, c2):
                ew16 = ew_ring[b, 0, pl.ds(gi * 16, 16)]
                for i in range(16):
                    s = ew16[i]
                    e = gi * 16 + i
                    for jj in range(fh_active // 16):
                        fs = pl.ds(jj * 16, 16)
                        rows3[b, e, fs] = rows3[b, e, fs] * s
                return c2

            lax.fori_loop(0, _CHUNK // 16, group_body, 0)

        idxload_start(0, 0)
        idxload_start(1, 1)
        idxload_start(2, 2)
        idxload_wait(0)
        unpack(0)
        gather_start(0)
        idxload_wait(1)
        unpack(1)
        gather_start(1)
        plsc.subcore_barrier()

        ntrip = (nct - 1) // 3

        def triple(t, carry):
            for k in range(3):
                i = 3 * t + k
                b = k
                b2 = (k + 2) % 3
                gather_wait(b)
                compute(b)
                scatter_start(b)
                if k == 0:
                    @pl.when(t > 0)
                    def _():
                        scatter_wait(b2)
                else:
                    scatter_wait(b2)

                @pl.when(i + 3 < nct)
                def _():
                    idxload_start(i + 3, b)

                @pl.when(i + 2 < nct)
                def _():
                    idxload_wait(b2)
                    unpack(b2)
                    gather_start(b2)
            return carry

        lax.fori_loop(0, ntrip, triple, 0)

        bt = (nct - 1) % 3
        gather_wait(bt)
        compute(bt)
        scatter_start(bt)
        scatter_wait((nct - 2) % 3)
        scatter_wait((nct - 1) % 3)

        plsc.subcore_barrier()
        pltpu.sync_copy(acc.at[pl.ds(sid * blk, blk)],
                        out_hbm.at[cid, pl.ds(sid * blk, blk)])

    return spmm_kernel(g_tab, packed2d, ew2d, zeros_nf)



def _tc_pre(x, W1, dp0, dp1):
    n, _ = x.shape
    h = W1.shape[1]

    def body(x_ref, w_ref, a_ref, b_ref, g_ref, dinv_ref):
        deg = a_ref[...] + b_ref[...] + 1.0
        dinv = lax.rsqrt(deg)
        t = jnp.dot(x_ref[...], w_ref[...], preferred_element_type=jnp.float32)
        g_ref[...] = dinv * t
        dinv_ref[...] = dinv

    return pl.pallas_call(
        body,
        out_shape=[jax.ShapeDtypeStruct((n, h), jnp.float32),
                   jax.ShapeDtypeStruct((n, 1), jnp.float32)],
    )(x, W1, dp0, dp1)


def _tc_mid(s1p, g1, dinv, b1r, W2):
    n = dinv.shape[0]
    h = g1.shape[1]
    c = W2.shape[1]

    def body(s_ref, g_ref, d_ref, b_ref, w_ref, out_ref):
        dinv = d_ref[...]
        h1 = jnp.maximum(dinv * (s_ref[0, :n] + s_ref[1, :n] + g_ref[...])
                         + b_ref[...], 0.0)
        t2 = jnp.dot(h1, w_ref[...], preferred_element_type=jnp.float32)
        out_ref[...] = jnp.concatenate(
            [dinv * t2, jnp.zeros((n, h - c), jnp.float32)], axis=1)

    return pl.pallas_call(
        body,
        out_shape=jax.ShapeDtypeStruct((n, h), jnp.float32),
    )(s1p, g1, dinv, b1r, W2)


def _tc_post(s2p, g2pad, dinv, b2r, c):
    n = dinv.shape[0]

    def body(s_ref, g_ref, d_ref, b_ref, out_ref):
        pre = s_ref[0, :n, :c] + s_ref[1, :n, :c] + g_ref[:, :c]
        out_ref[...] = d_ref[...] * pre + b_ref[...]

    return pl.pallas_call(
        body,
        out_shape=jax.ShapeDtypeStruct((n, c), jnp.float32),
    )(s2p, g2pad, dinv, b2r)



def kernel(x, edge_index, edge_weight, W1, b1, W2, b2):
    n, _ = x.shape
    e = edge_index.shape[1]
    h = W1.shape[1]
    c = W2.shape[1]

    quant = _NC * _NT * _CHUNK
    e_pad = _round_up(e, quant)
    while (e_pad // quant) % 3 != 1:
        e_pad += quant
    pad = e_pad - e
    spread = jnp.arange(pad, dtype=jnp.int32) % n
    rowv = jnp.concatenate([edge_index[0], spread])
    colv = jnp.concatenate([edge_index[1], spread])
    nchunks = e_pad // _CHUNK
    packed = (rowv | (colv << 14)).reshape(nchunks, 1, _CHUNK)
    col = colv.reshape(nchunks, 1, _CHUNK)
    ew = jnp.concatenate(
        [edge_weight, jnp.zeros((pad,), jnp.float32)]).reshape(nchunks, 1, _CHUNK)

    n_pad = _round_up(-(-n // _NT), 128) * _NT
    zeros_nh = jnp.zeros((n_pad, h), jnp.float32)

    degp = _sc_degree(col, ew, zeros_nh[:, 0], n=n, e_pad=e_pad)
    dp0 = degp[0, 0, :n].reshape(n, 1)
    dp1 = degp[1, 0, :n].reshape(n, 1)

    g1, dinv = _tc_pre(x, W1, dp0, dp1)
    s1p = _sc_spmm(g1, packed, ew, zeros_nh, n=n, e_pad=e_pad, fh_active=h)
    g2pad = _tc_mid(s1p, g1, dinv, b1.reshape(1, h), W2)
    s2p = _sc_spmm(g2pad, packed, ew, zeros_nh, n=n, e_pad=e_pad, fh_active=c)
    return _tc_post(s2p, g2pad, dinv, b2.reshape(1, c), c)

# --- scband reference (transcript-rebuilt; emitter-appended) ---
"""Pipeline reference for scband-gcn-22960895164565 (READ-ONLY COPY).

The authoritative reference and input builder live on the scoring server;
editing this copy changes nothing except your own understanding.
"""

import jax, jax.numpy as jnp
import numpy as np

N = 10000
E = 320000
F_IN = 128
H = 128
C = 64


def setup_inputs(seed: int = 0) -> dict:
    key = jax.random.key(seed)
    ks = jax.random.split(key, 8)
    x = jax.random.normal(ks[0], (N, F_IN), dtype=jnp.float32)
    edge_index = jax.random.randint(ks[1], (2, E), 0, N, dtype=jnp.int32)
    edge_weight = jax.random.uniform(ks[2], (E,), dtype=jnp.float32)
    W1 = jax.random.normal(ks[3], (F_IN, H), dtype=jnp.float32) * (1.0 / np.sqrt(F_IN))
    b1 = jnp.zeros((H,), dtype=jnp.float32)
    W2 = jax.random.normal(ks[4], (H, C), dtype=jnp.float32) * (1.0 / np.sqrt(H))
    b2 = jnp.zeros((C,), dtype=jnp.float32)
    return {"x": x, "edge_index": edge_index, "edge_weight": edge_weight,
            "W1": W1, "b1": b1, "W2": W2, "b2": b2}


def reference(x, edge_index, edge_weight, W1, b1, W2, b2):
    # GCN normalization (gcn_norm with add_self_loops=True, fill_value=1.0)
    row0 = edge_index[0]
    col0 = edge_index[1]
    loop = jnp.arange(N, dtype=edge_index.dtype)
    row = jnp.concatenate([row0, loop])
    col = jnp.concatenate([col0, loop])
    ew = jnp.concatenate([edge_weight, jnp.ones((N,), dtype=edge_weight.dtype)])
    deg = jax.ops.segment_sum(ew, col, num_segments=N)
    dinv = jnp.where(deg > 0, 1.0 / jnp.sqrt(deg), 0.0)
    norm = dinv[row] * ew * dinv[col]

    def gcn_conv(h, W, b):
        h = h @ W
        msg = norm[:, None] * jnp.take(h, row, axis=0)
        out = jax.ops.segment_sum(msg, col, num_segments=N)
        return out + b

    # gc1 + ReLU (with_relu=True); dropout is identity in eval mode
    h1 = jax.nn.relu(gcn_conv(x, W1, b1))
    # gc2
    out = gcn_conv(h1, W2, b2)
    return out

if __name__ == "__main__":
    import jax
    _d = setup_inputs()
    print(jax.jit(kernel)(*tuple(_d.values())))

</pallas_src>

<mosaic_0001>
#map = affine_map<(d0, d1) -> (0, 0, 0)>
#map1 = affine_map<(d0, d1) -> (0)>
module attributes {stable_mosaic.version = 14 : i64} {
  func.func @deg_kernel(%arg0: i32, %arg1: i32, %arg2: memref<3392x1x96xi32, #tpu.memory_space<hbm>>, %arg3: memref<3392x1x96xf32, #tpu.memory_space<hbm>>, %arg4: memref<10240xf32, #tpu.memory_space<hbm>>, %arg5: memref<2x1x10240xf32, #tpu.memory_space<hbm>>, %arg6: memref<106x1x96xi32, #tpu.memory_space<vmem>>, %arg7: memref<106x1x96xf32, #tpu.memory_space<vmem>>, %arg8: memref<10240xf32, #tpu.memory_space<vmem_shared>>, %arg9: memref<!tpu.dma_semaphore, #tpu.memory_space<semaphore_mem>>) attributes {dimension_semantics = [#tpu.dimension_semantics<core_parallel>, #tpu.dimension_semantics<subcore_parallel>], iteration_bounds = array<i64: 2, 16>, scalar_prefetch = 0 : i64, scratch_operands = 4 : i64, tpu.core_type = #tpu.core_type<sc_vector_subcore>, window_params = [{transform_indices = #map}, {transform_indices = #map}, {transform_indices = #map1}, {transform_indices = #map}]} {
    %mul3A = arith.constant 2 : i32
    %mul3A_0 = arith.muli %arg1, %mul3A : i32
    %add3A = arith.addi %mul3A_0, %arg0 : i32
    %mul3A_1 = arith.constant 640 : i32
    %mul3A_2 = arith.muli %arg1, %mul3A_1 : i32
    %mul3A_3 = arith.constant 640 : i32
    %mul3A_4 = arith.muli %arg1, %mul3A_3 : i32
    "tpu.region"() ({
      %run_scoped3A_114 = tpu.sem_alloc : memref<!tpu.dma_semaphore, #tpu.memory_space<semaphore_mem>>
      %dma_start3A = tpu.memref_slice %arg8[%mul3A_4] : memref<10240xf32, #tpu.memory_space<vmem_shared>> -> memref<640xf32, #tpu.memory_space<vmem_shared>>
      %dma_start3A_115 = tpu.memref_slice %arg4[%mul3A_2] : memref<10240xf32, #tpu.memory_space<hbm>> -> memref<640xf32, #tpu.memory_space<hbm>>
      tpu.enqueue_dma source(%dma_start3A_115 : memref<640xf32, #tpu.memory_space<hbm>>) target(%dma_start3A : memref<640xf32, #tpu.memory_space<vmem_shared>>) target_semaphore(%run_scoped3A_114 : memref<!tpu.dma_semaphore, #tpu.memory_space<semaphore_mem>>)
      %dma_wait3A_116 = tpu.memref_slice %arg8[%mul3A_4] : memref<10240xf32, #tpu.memory_space<vmem_shared>> -> memref<640xf32, #tpu.memory_space<vmem_shared>>
      %dma_wait3A_117 = tpu.memref_slice %arg4[%mul3A_2] : memref<10240xf32, #tpu.memory_space<hbm>> -> memref<640xf32, #tpu.memory_space<hbm>>
      tpu.wait_dma2 semaphore(%run_scoped3A_114 : memref<!tpu.dma_semaphore, #tpu.memory_space<semaphore_mem>>) src(%dma_wait3A_117 : memref<640xf32, #tpu.memory_space<hbm>>) dst(%dma_wait3A_116 : memref<640xf32, #tpu.memory_space<vmem_shared>>)
      tpu.yield
    }) : () -> ()
    %mul3A_5 = arith.constant 106 : i32
    %mul3A_6 = arith.muli %add3A, %mul3A_5 : i32
    "tpu.region"() ({
      %run_scoped3A_114 = tpu.sem_alloc : memref<!tpu.dma_semaphore, #tpu.memory_space<semaphore_mem>>
      %dma_start3A = arith.constant 0 : i32
      %dma_start3A_115 = arith.constant 0 : i32
      %dma_start3A_116 = tpu.memref_slice %arg2[%mul3A_6, %dma_start3A, %dma_start3A_115] : memref<3392x1x96xi32, #tpu.memory_space<hbm>> -> memref<106x1x96xi32, #tpu.memory_space<hbm>>
      %dma_start3A_117 = arith.constant 0 : i32
      %dma_start3A_118 = arith.constant 0 : i32
      %dma_start3A_119 = tpu.memref_slice %arg2[%mul3A_6, %dma_start3A_117, %dma_start3A_118] : memref<3392x1x96xi32, #tpu.memory_space<hbm>> -> memref<106x1x96xi32, #tpu.memory_space<hbm>>
      tpu.enqueue_dma source(%dma_start3A_119 : memref<106x1x96xi32, #tpu.memory_space<hbm>>) target(%arg6 : memref<106x1x96xi32, #tpu.memory_space<vmem>>) target_semaphore(%run_scoped3A_114 : memref<!tpu.dma_semaphore, #tpu.memory_space<semaphore_mem>>)
      %dma_wait3A_120 = arith.constant 0 : i32
      %dma_wait3A_121 = arith.constant 0 : i32
      %dma_wait3A_122 = tpu.memref_slice %arg2[%mul3A_6, %dma_wait3A_120, %dma_wait3A_121] : memref<3392x1x96xi32, #tpu.memory_space<hbm>> -> memref<106x1x96xi32, #tpu.memory_space<hbm>>
      %dma_wait3A_123 = arith.constant 0 : i32
      %dma_wait3A_124 = arith.constant 0 : i32
      %dma_wait3A_125 = tpu.memref_slice %arg2[%mul3A_6, %dma_wait3A_123, %dma_wait3A_124] : memref<3392x1x96xi32, #tpu.memory_space<hbm>> -> memref<106x1x96xi32, #tpu.memory_space<hbm>>
      tpu.wait_dma2 semaphore(%run_scoped3A_114 : memref<!tpu.dma_semaphore, #tpu.memory_space<semaphore_mem>>) src(%dma_wait3A_125 : memref<106x1x96xi32, #tpu.memory_space<hbm>>) dst(%arg6 : memref<106x1x96xi32, #tpu.memory_space<vmem>>)
      tpu.yield
    }) : () -> ()
    %mul3A_7 = arith.constant 106 : i32
    %mul3A_8 = arith.muli %add3A, %mul3A_7 : i32
    "tpu.region"() ({
      %run_scoped3A_114 = tpu.sem_alloc : memref<!tpu.dma_semaphore, #tpu.memory_space<semaphore_mem>>
      %dma_start3A = arith.constant 0 : i32
      %dma_start3A_115 = arith.constant 0 : i32
      %dma_start3A_116 = tpu.memref_slice %arg3[%mul3A_8, %dma_start3A, %dma_start3A_115] : memref<3392x1x96xf32, #tpu.memory_space<hbm>> -> memref<106x1x96xf32, #tpu.memory_space<hbm>>
      %dma_start3A_117 = arith.constant 0 : i32
      %dma_start3A_118 = arith.constant 0 : i32
      %dma_start3A_119 = tpu.memref_slice %arg3[%mul3A_8, %dma_start3A_117, %dma_start3A_118] : memref<3392x1x96xf32, #tpu.memory_space<hbm>> -> memref<106x1x96xf32, #tpu.memory_space<hbm>>
      tpu.enqueue_dma source(%dma_start3A_119 : memref<106x1x96xf32, #tpu.memory_space<hbm>>) target(%arg7 : memref<106x1x96xf32, #tpu.memory_space<vmem>>) target_semaphore(%run_scoped3A_114 : memref<!tpu.dma_semaphore, #tpu.memory_space<semaphore_mem>>)
      %dma_wait3A_120 = arith.constant 0 : i32
      %dma_wait3A_121 = arith.constant 0 : i32
      %dma_wait3A_122 = tpu.memref_slice %arg3[%mul3A_8, %dma_wait3A_120, %dma_wait3A_121] : memref<3392x1x96xf32, #tpu.memory_space<hbm>> -> memref<106x1x96xf32, #tpu.memory_space<hbm>>
      %dma_wait3A_123 = arith.constant 0 : i32
      %dma_wait3A_124 = arith.constant 0 : i32
      %dma_wait3A_125 = tpu.memref_slice %arg3[%mul3A_8, %dma_wait3A_123, %dma_wait3A_124] : memref<3392x1x96xf32, #tpu.memory_space<hbm>> -> memref<106x1x96xf32, #tpu.memory_space<hbm>>
      tpu.wait_dma2 semaphore(%run_scoped3A_114 : memref<!tpu.dma_semaphore, #tpu.memory_space<semaphore_mem>>) src(%dma_wait3A_125 : memref<106x1x96xf32, #tpu.memory_space<hbm>>) dst(%arg7 : memref<106x1x96xf32, #tpu.memory_space<vmem>>)
      tpu.yield
    }) : () -> ()
    %barrier3A = arith.constant 0 : index
    tpu.barrier barrier_id(%barrier3A)
    %scan3A = arith.constant 0 : i32
    %scan3A_9 = arith.constant 0 : i32
    %scan3A_10 = arith.constant 106 : i32
    %scan3A_11 = arith.addi %scan3A_9, %scan3A_10 : i32
    %scan3A_12 = arith.constant 1 : i32
    scf.for %scan3A_114 = %scan3A_9 to %scan3A_11 step %scan3A_12  : i32 {
      %dma_start3A = arith.constant 0 : i32
      %dma_start3A_115 = arith.constant 0 : i32
      %dma_start3A_116 = arith.constant 0 : i32
      %dma_start3A_117 = tpu.memref_slice %arg7[%scan3A_114, %dma_start3A, %dma_start3A_116] : memref<106x1x96xf32, #tpu.memory_space<vmem>> -> memref<1x1x96xf32, #tpu.memory_space<vmem>>
      %dma_start3A_118 = tpu.memref_squeeze %dma_start3A_117 : memref<1x1x96xf32, #tpu.memory_space<vmem>> -> memref<96xf32, #tpu.memory_space<vmem>>
      %dma_start3A_119 = arith.constant 0 : i32
      %dma_start3A_120 = tpu.memref_slice %arg6[%scan3A_114, %dma_start3A_115, %dma_start3A_119] : memref<106x1x96xi32, #tpu.memory_space<vmem>> -> memref<1x1x96xi32, #tpu.memory_space<vmem>>
      %dma_start3A_121 = tpu.memref_squeeze %dma_start3A_120 : memref<1x1x96xi32, #tpu.memory_space<vmem>> -> memref<96xi32, #tpu.memory_space<vmem>>
      %dma_start3A_122 = arith.constant 0 : i32
      %dma_start3A_123 = tpu.memref_slice %arg8[%dma_start3A_122] : memref<10240xf32, #tpu.memory_space<vmem_shared>> -> memref<10240xf32, #tpu.memory_space<vmem_shared>>
      tpu.enqueue_indirect_dma source(%dma_start3A_118 : memref<96xf32, #tpu.memory_space<vmem>>) target(%dma_start3A_123 : memref<10240xf32, #tpu.memory_space<vmem_shared>>) offsets(%dma_start3A_121 : memref<96xi32, #tpu.memory_space<vmem>>) semaphore(%arg9 : memref<!tpu.dma_semaphore, #tpu.memory_space<semaphore_mem>>) {add = true}
      %ge3A = arith.constant 8 : i32
      %ge3A_124 = arith.cmpi sge, %scan3A_114, %ge3A : i32
      %convert_element_type3A = arith.extui %ge3A_124 : i1 to i32
      %cond3A = arith.constant 0 : i32
      %cond3A_125 = arith.cmpi ne, %convert_element_type3A, %cond3A : i32
      scf.if %cond3A_125 {
        %dma_wait3A_126 = arith.constant 0 : i32
        %dma_wait3A_127 = arith.constant 0 : i32
        %dma_wait3A_128 = arith.constant 0 : i32
        %dma_wait3A_129 = tpu.memref_slice %arg7[%dma_wait3A_126, %dma_wait3A_127, %dma_wait3A_128] : memref<106x1x96xf32, #tpu.memory_space<vmem>> -> memref<1x1x96xf32, #tpu.memory_space<vmem>>
        %dma_wait3A_130 = tpu.memref_squeeze %dma_wait3A_129 : memref<1x1x96xf32, #tpu.memory_space<vmem>> -> memref<96xf32, #tpu.memory_space<vmem>>
        %dma_wait3A_131 = arith.constant 0 : i32
        %dma_wait3A_132 = tpu.memref_slice %arg4[%dma_wait3A_131] : memref<10240xf32, #tpu.memory_space<hbm>> -> memref<96xf32, #tpu.memory_space<hbm>>
        %dma_wait3A_133 = arith.constant 0 : i32
        %dma_wait3A_134 = tpu.memref_slice %arg7[%dma_wait3A_126, %dma_wait3A_127, %dma_wait3A_133] : memref<106x1x96xf32, #tpu.memory_space<vmem>> -> memref<1x1x96xf32, #tpu.memory_space<vmem>>
        %dma_wait3A_135 = tpu.memref_squeeze %dma_wait3A_134 : memref<1x1x96xf32, #tpu.memory_space<vmem>> -> memref<96xf32, #tpu.memory_space<vmem>>
        %dma_wait3A_136 = arith.constant 0 : i32
        %dma_wait3A_137 = tpu.memref_slice %arg4[%dma_wait3A_136] : memref<10240xf32, #tpu.memory_space<hbm>> -> memref<96xf32, #tpu.memory_space<hbm>>
        tpu.wait_dma2 semaphore(%arg9 : memref<!tpu.dma_semaphore, #tpu.memory_space<semaphore_mem>>) src(%dma_wait3A_137 : memref<96xf32, #tpu.memory_space<hbm>>) dst(%dma_wait3A_135 : memref<96xf32, #tpu.memory_space<vmem>>)
      } else {
      }
    }
    %scan3A_13 = arith.constant 106 : i32
    %dma_wait3A = arith.constant 0 : i32
    %dma_wait3A_14 = arith.constant 0 : i32
    %dma_wait3A_15 = arith.constant 0 : i32
    %dma_wait3A_16 = tpu.memref_slice %arg7[%dma_wait3A, %dma_wait3A_14, %dma_wait3A_15] : memref<106x1x96xf32, #tpu.memory_space<vmem>> -> memref<1x1x96xf32, #tpu.memory_space<vmem>>
    %dma_wait3A_17 = tpu.memref_squeeze %dma_wait3A_16 : memref<1x1x96xf32, #tpu.memory_space<vmem>> -> memref<96xf32, #tpu.memory_space<vmem>>
    %dma_wait3A_18 = arith.constant 0 : i32
    %dma_wait3A_19 = tpu.memref_slice %arg4[%dma_wait3A_18] : memref<10240xf32, #tpu.memory_space<hbm>> -> memref<96xf32, #tpu.memory_space<hbm>>
    %dma_wait3A_20 = arith.constant 0 : i32
    %dma_wait3A_21 = tpu.memref_slice %arg7[%dma_wait3A, %dma_wait3A_14, %dma_wait3A_20] : memref<106x1x96xf32, #tpu.memory_space<vmem>> -> memref<1x1x96xf32, #tpu.memory_space<vmem>>
    %dma_wait3A_22 = tpu.memref_squeeze %dma_wait3A_21 : memref<1x1x96xf32, #tpu.memory_space<vmem>> -> memref<96xf32, #tpu.memory_space<vmem>>
    %dma_wait3A_23 = arith.constant 0 : i32
    %dma_wait3A_24 = tpu.memref_slice %arg4[%dma_wait3A_23] : memref<10240xf32, #tpu.memory_space<hbm>> -> memref<96xf32, #tpu.memory_space<hbm>>
    tpu.wait_dma2 semaphore(%arg9 : memref<!tpu.dma_semaphore, #tpu.memory_space<semaphore_mem>>) src(%dma_wait3A_24 : memref<96xf32, #tpu.memory_space<hbm>>) dst(%dma_wait3A_22 : memref<96xf32, #tpu.memory_space<vmem>>)
    %dma_wait3A_25 = arith.constant 0 : i32
    %dma_wait3A_26 = arith.constant 0 : i32
    %dma_wait3A_27 = arith.constant 0 : i32
    %dma_wait3A_28 = tpu.memref_slice %arg7[%dma_wait3A_25, %dma_wait3A_26, %dma_wait3A_27] : memref<106x1x96xf32, #tpu.memory_space<vmem>> -> memref<1x1x96xf32, #tpu.memory_space<vmem>>
    %dma_wait3A_29 = tpu.memref_squeeze %dma_wait3A_28 : memref<1x1x96xf32, #tpu.memory_space<vmem>> -> memref<96xf32, #tpu.memory_space<vmem>>
    %dma_wait3A_30 = arith.constant 0 : i32
    %dma_wait3A_31 = tpu.memref_slice %arg4[%dma_wait3A_30] : memref<10240xf32, #tpu.memory_space<hbm>> -> memref<96xf32, #tpu.memory_space<hbm>>
    %dma_wait3A_32 = arith.constant 0 : i32
    %dma_wait3A_33 = tpu.memref_slice %arg7[%dma_wait3A_25, %dma_wait3A_26, %dma_wait3A_32] : memref<106x1x96xf32, #tpu.memory_space<vmem>> -> memref<1x1x96xf32, #tpu.memory_space<vmem>>
    %dma_wait3A_34 = tpu.memref_squeeze %dma_wait3A_33 : memref<1x1x96xf32, #tpu.memory_space<vmem>> -> memref<96xf32, #tpu.memory_space<vmem>>
    %dma_wait3A_35 = arith.constant 0 : i32
    %dma_wait3A_36 = tpu.memref_slice %arg4[%dma_wait3A_35] : memref<10240xf32, #tpu.memory_space<hbm>> -> memref<96xf32, #tpu.memory_space<hbm>>
    tpu.wait_dma2 semaphore(%arg9 : memref<!tpu.dma_semaphore, #tpu.memory_space<semaphore_mem>>) src(%dma_wait3A_36 : memref<96xf32, #tpu.memory_space<hbm>>) dst(%dma_wait3A_34 : memref<96xf32, #tpu.memory_space<vmem>>)
    %dma_wait3A_37 = arith.constant 0 : i32
    %dma_wait3A_38 = arith.constant 0 : i32
    %dma_wait3A_39 = arith.constant 0 : i32
    %dma_wait3A_40 = tpu.memref_slice %arg7[%dma_wait3A_37, %dma_wait3A_38, %dma_wait3A_39] : memref<106x1x96xf32, #tpu.memory_space<vmem>> -> memref<1x1x96xf32, #tpu.memory_space<vmem>>
    %dma_wait3A_41 = tpu.memref_squeeze %dma_wait3A_40 : memref<1x1x96xf32, #tpu.memory_space<vmem>> -> memref<96xf32, #tpu.memory_space<vmem>>
    %dma_wait3A_42 = arith.constant 0 : i32
    %dma_wait3A_43 = tpu.memref_slice %arg4[%dma_wait3A_42] : memref<10240xf32, #tpu.memory_space<hbm>> -> memref<96xf32, #tpu.memory_space<hbm>>
    %dma_wait3A_44 = arith.constant 0 : i32
    %dma_wait3A_45 = tpu.memref_slice %arg7[%dma_wait3A_37, %dma_wait3A_38, %dma_wait3A_44] : memref<106x1x96xf32, #tpu.memory_space<vmem>> -> memref<1x1x96xf32, #tpu.memory_space<vmem>>
    %dma_wait3A_46 = tpu.memref_squeeze %dma_wait3A_45 : memref<1x1x96xf32, #tpu.memory_space<vmem>> -> memref<96xf32, #tpu.memory_space<vmem>>
    %dma_wait3A_47 = arith.constant 0 : i32
    %dma_wait3A_48 = tpu.memref_slice %arg4[%dma_wait3A_47] : memref<10240xf32, #tpu.memory_space<hbm>> -> memref<96xf32, #tpu.memory_space<hbm>>
    tpu.wait_dma2 semaphore(%arg9 : memref<!tpu.dma_semaphore, #tpu.memory_space<semaphore_mem>>) src(%dma_wait3A_48 : memref<96xf32, #tpu.memory_space<hbm>>) dst(%dma_wait3A_46 : memref<96xf32, #tpu.memory_space<vmem>>)
    %dma_wait3A_49 = arith.constant 0 : i32
    %dma_wait3A_50 = arith.constant 0 : i32
    %dma_wait3A_51 = arith.constant 0 : i32
    %dma_wait3A_52 = tpu.memref_slice %arg7[%dma_wait3A_49, %dma_wait3A_50, %dma_wait3A_51] : memref<106x1x96xf32, #tpu.memory_space<vmem>> -> memref<1x1x96xf32, #tpu.memory_space<vmem>>
    %dma_wait3A_53 = tpu.memref_squeeze %dma_wait3A_52 : memref<1x1x96xf32, #tpu.memory_space<vmem>> -> memref<96xf32, #tpu.memory_space<vmem>>
    %dma_wait3A_54 = arith.constant 0 : i32
    %dma_wait3A_55 = tpu.memref_slice %arg4[%dma_wait3A_54] : memref<10240xf32, #tpu.memory_space<hbm>> -> memref<96xf32, #tpu.memory_space<hbm>>
    %dma_wait3A_56 = arith.constant 0 : i32
    %dma_wait3A_57 = tpu.memref_slice %arg7[%dma_wait3A_49, %dma_wait3A_50, %dma_wait3A_56] : memref<106x1x96xf32, #tpu.memory_space<vmem>> -> memref<1x1x96xf32, #tpu.memory_space<vmem>>
    %dma_wait3A_58 = tpu.memref_squeeze %dma_wait3A_57 : memref<1x1x96xf32, #tpu.memory_space<vmem>> -> memref<96xf32, #tpu.memory_space<vmem>>
    %dma_wait3A_59 = arith.constant 0 : i32
    %dma_wait3A_60 = tpu.memref_slice %arg4[%dma_wait3A_59] : memref<10240xf32, #tpu.memory_space<hbm>> -> memref<96xf32, #tpu.memory_space<hbm>>
    tpu.wait_dma2 semaphore(%arg9 : memref<!tpu.dma_semaphore, #tpu.memory_space<semaphore_mem>>) src(%dma_wait3A_60 : memref<96xf32, #tpu.memory_space<hbm>>) dst(%dma_wait3A_58 : memref<96xf32, #tpu.memory_space<vmem>>)
    %dma_wait3A_61 = arith.constant 0 : i32
    %dma_wait3A_62 = arith.constant 0 : i32
    %dma_wait3A_63 = arith.constant 0 : i32
    %dma_wait3A_64 = tpu.memref_slice %arg7[%dma_wait3A_61, %dma_wait3A_62, %dma_wait3A_63] : memref<106x1x96xf32, #tpu.memory_space<vmem>> -> memref<1x1x96xf32, #tpu.memory_space<vmem>>
    %dma_wait3A_65 = tpu.memref_squeeze %dma_wait3A_64 : memref<1x1x96xf32, #tpu.memory_space<vmem>> -> memref<96xf32, #tpu.memory_space<vmem>>
    %dma_wait3A_66 = arith.constant 0 : i32
    %dma_wait3A_67 = tpu.memref_slice %arg4[%dma_wait3A_66] : memref<10240xf32, #tpu.memory_space<hbm>> -> memref<96xf32, #tpu.memory_space<hbm>>
    %dma_wait3A_68 = arith.constant 0 : i32
    %dma_wait3A_69 = tpu.memref_slice %arg7[%dma_wait3A_61, %dma_wait3A_62, %dma_wait3A_68] : memref<106x1x96xf32, #tpu.memory_space<vmem>> -> memref<1x1x96xf32, #tpu.memory_space<vmem>>
    %dma_wait3A_70 = tpu.memref_squeeze %dma_wait3A_69 : memref<1x1x96xf32, #tpu.memory_space<vmem>> -> memref<96xf32, #tpu.memory_space<vmem>>
    %dma_wait3A_71 = arith.constant 0 : i32
    %dma_wait3A_72 = tpu.memref_slice %arg4[%dma_wait3A_71] : memref<10240xf32, #tpu.memory_space<hbm>> -> memref<96xf32, #tpu.memory_space<hbm>>
    tpu.wait_dma2 semaphore(%arg9 : memref<!tpu.dma_semaphore, #tpu.memory_space<semaphore_mem>>) src(%dma_wait3A_72 : memref<96xf32, #tpu.memory_space<hbm>>) dst(%dma_wait3A_70 : memref<96xf32, #tpu.memory_space<vmem>>)
    %dma_wait3A_73 = arith.constant 0 : i32
    %dma_wait3A_74 = arith.constant 0 : i32
    %dma_wait3A_75 = arith.constant 0 : i32
    %dma_wait3A_76 = tpu.memref_slice %arg7[%dma_wait3A_73, %dma_wait3A_74, %dma_wait3A_75] : memref<106x1x96xf32, #tpu.memory_space<vmem>> -> memref<1x1x96xf32, #tpu.memory_space<vmem>>
    %dma_wait3A_77 = tpu.memref_squeeze %dma_wait3A_76 : memref<1x1x96xf32, #tpu.memory_space<vmem>> -> memref<96xf32, #tpu.memory_space<vmem>>
    %dma_wait3A_78 = arith.constant 0 : i32
    %dma_wait3A_79 = tpu.memref_slice %arg4[%dma_wait3A_78] : memref<10240xf32, #tpu.memory_space<hbm>> -> memref<96xf32, #tpu.memory_space<hbm>>
    %dma_wait3A_80 = arith.constant 0 : i32
    %dma_wait3A_81 = tpu.memref_slice %arg7[%dma_wait3A_73, %dma_wait3A_74, %dma_wait3A_80] : memref<106x1x96xf32, #tpu.memory_space<vmem>> -> memref<1x1x96xf32, #tpu.memory_space<vmem>>
    %dma_wait3A_82 = tpu.memref_squeeze %dma_wait3A_81 : memref<1x1x96xf32, #tpu.memory_space<vmem>> -> memref<96xf32, #tpu.memory_space<vmem>>
    %dma_wait3A_83 = arith.constant 0 : i32
    %dma_wait3A_84 = tpu.memref_slice %arg4[%dma_wait3A_83] : memref<10240xf32, #tpu.memory_space<hbm>> -> memref<96xf32, #tpu.memory_space<hbm>>
    tpu.wait_dma2 semaphore(%arg9 : memref<!tpu.dma_semaphore, #tpu.memory_space<semaphore_mem>>) src(%dma_wait3A_84 : memref<96xf32, #tpu.memory_space<hbm>>) dst(%dma_wait3A_82 : memref<96xf32, #tpu.memory_space<vmem>>)
    %dma_wait3A_85 = arith.constant 0 : i32
    %dma_wait3A_86 = arith.constant 0 : i32
    %dma_wait3A_87 = arith.constant 0 : i32
    %dma_wait3A_88 = tpu.memref_slice %arg7[%dma_wait3A_85, %dma_wait3A_86, %dma_wait3A_87] : memref<106x1x96xf32, #tpu.memory_space<vmem>> -> memref<1x1x96xf32, #tpu.memory_space<vmem>>
    %dma_wait3A_89 = tpu.memref_squeeze %dma_wait3A_88 : memref<1x1x96xf32, #tpu.memory_space<vmem>> -> memref<96xf32, #tpu.memory_space<vmem>>
    %dma_wait3A_90 = arith.constant 0 : i32
    %dma_wait3A_91 = tpu.memref_slice %arg4[%dma_wait3A_90] : memref<10240xf32, #tpu.memory_space<hbm>> -> memref<96xf32, #tpu.memory_space<hbm>>
    %dma_wait3A_92 = arith.constant 0 : i32
    %dma_wait3A_93 = tpu.memref_slice %arg7[%dma_wait3A_85, %dma_wait3A_86, %dma_wait3A_92] : memref<106x1x96xf32, #tpu.memory_space<vmem>> -> memref<1x1x96xf32, #tpu.memory_space<vmem>>
    %dma_wait3A_94 = tpu.memref_squeeze %dma_wait3A_93 : memref<1x1x96xf32, #tpu.memory_space<vmem>> -> memref<96xf32, #tpu.memory_space<vmem>>
    %dma_wait3A_95 = arith.constant 0 : i32
    %dma_wait3A_96 = tpu.memref_slice %arg4[%dma_wait3A_95] : memref<10240xf32, #tpu.memory_space<hbm>> -> memref<96xf32, #tpu.memory_space<hbm>>
    tpu.wait_dma2 semaphore(%arg9 : memref<!tpu.dma_semaphore, #tpu.memory_space<semaphore_mem>>) src(%dma_wait3A_96 : memref<96xf32, #tpu.memory_space<hbm>>) dst(%dma_wait3A_94 : memref<96xf32, #tpu.memory_space<vmem>>)
    %dma_wait3A_97 = arith.constant 0 : i32
    %dma_wait3A_98 = arith.constant 0 : i32
    %dma_wait3A_99 = arith.constant 0 : i32
    %dma_wait3A_100 = tpu.memref_slice %arg7[%dma_wait3A_97, %dma_wait3A_98, %dma_wait3A_99] : memref<106x1x96xf32, #tpu.memory_space<vmem>> -> memref<1x1x96xf32, #tpu.memory_space<vmem>>
    %dma_wait3A_101 = tpu.memref_squeeze %dma_wait3A_100 : memref<1x1x96xf32, #tpu.memory_space<vmem>> -> memref<96xf32, #tpu.memory_space<vmem>>
    %dma_wait3A_102 = arith.constant 0 : i32
    %dma_wait3A_103 = tpu.memref_slice %arg4[%dma_wait3A_102] : memref<10240xf32, #tpu.memory_space<hbm>> -> memref<96xf32, #tpu.memory_space<hbm>>
    %dma_wait3A_104 = arith.constant 0 : i32
    %dma_wait3A_105 = tpu.memref_slice %arg7[%dma_wait3A_97, %dma_wait3A_98, %dma_wait3A_104] : memref<106x1x96xf32, #tpu.memory_space<vmem>> -> memref<1x1x96xf32, #tpu.memory_space<vmem>>
    %dma_wait3A_106 = tpu.memref_squeeze %dma_wait3A_105 : memref<1x1x96xf32, #tpu.memory_space<vmem>> -> memref<96xf32, #tpu.memory_space<vmem>>
    %dma_wait3A_107 = arith.constant 0 : i32
    %dma_wait3A_108 = tpu.memref_slice %arg4[%dma_wait3A_107] : memref<10240xf32, #tpu.memory_space<hbm>> -> memref<96xf32, #tpu.memory_space<hbm>>
    tpu.wait_dma2 semaphore(%arg9 : memref<!tpu.dma_semaphore, #tpu.memory_space<semaphore_mem>>) src(%dma_wait3A_108 : memref<96xf32, #tpu.memory_space<hbm>>) dst(%dma_wait3A_106 : memref<96xf32, #tpu.memory_space<vmem>>)
    %barrier3A_109 = arith.constant 0 : index
    tpu.barrier barrier_id(%barrier3A_109)
    %mul3A_110 = arith.constant 640 : i32
    %mul3A_111 = arith.muli %arg1, %mul3A_110 : i32
    %mul3A_112 = arith.constant 640 : i32
    %mul3A_113 = arith.muli %arg1, %mul3A_112 : i32
    %run_scoped3A = arith.constant 0 : i32
    "tpu.region"() ({
      %run_scoped3A_114 = tpu.sem_alloc : memref<!tpu.dma_semaphore, #tpu.memory_space<semaphore_mem>>
      %dma_start3A = tpu.memref_slice %arg5[%arg0, %run_scoped3A, %mul3A_113] : memref<2x1x10240xf32, #tpu.memory_space<hbm>> -> memref<1x1x640xf32, #tpu.memory_space<hbm>>
      %dma_start3A_115 = tpu.memref_squeeze %dma_start3A : memref<1x1x640xf32, #tpu.memory_space<hbm>> -> memref<640xf32, #tpu.memory_space<hbm>>
      %dma_start3A_116 = tpu.memref_slice %arg8[%mul3A_111] : memref<10240xf32, #tpu.memory_space<vmem_shared>> -> memref<640xf32, #tpu.memory_space<vmem_shared>>
      tpu.enqueue_dma source(%dma_start3A_116 : memref<640xf32, #tpu.memory_space<vmem_shared>>) target(%dma_start3A_115 : memref<640xf32, #tpu.memory_space<hbm>>) target_semaphore(%run_scoped3A_114 : memref<!tpu.dma_semaphore, #tpu.memory_space<semaphore_mem>>)
      %dma_wait3A_117 = tpu.memref_slice %arg5[%arg0, %run_scoped3A, %mul3A_113] : memref<2x1x10240xf32, #tpu.memory_space<hbm>> -> memref<1x1x640xf32, #tpu.memory_space<hbm>>
      %dma_wait3A_118 = tpu.memref_squeeze %dma_wait3A_117 : memref<1x1x640xf32, #tpu.memory_space<hbm>> -> memref<640xf32, #tpu.memory_space<hbm>>
      %dma_wait3A_119 = tpu.memref_slice %arg8[%mul3A_111] : memref<10240xf32, #tpu.memory_space<vmem_shared>> -> memref<640xf32, #tpu.memory_space<vmem_shared>>
      tpu.wait_dma2 semaphore(%run_scoped3A_114 : memref<!tpu.dma_semaphore, #tpu.memory_space<semaphore_mem>>) src(%dma_wait3A_119 : memref<640xf32, #tpu.memory_space<vmem_shared>>) dst(%dma_wait3A_118 : memref<640xf32, #tpu.memory_space<hbm>>)
      tpu.yield
    }) : () -> ()
    return
  }
}

</mosaic_0001>

<sc_bundles>
// kernel: _sc_degree.3.cloned.1.call-start
scs
__scs_entry_jumppad:
0x0: {  	(pc) =	sbr.rel $0x88, $3  }
0x1: {  	(tag) =	ssettag $0x0;
	lr =	simm.s32 $0x1  }
0x2: {  	[smem:$0x3F9E] =	sst lr;
	_ =	strace $0xD0000000  }
0x3: {  	_ = 	snop  }
0x4: {  	_ = 	snop  }
0x5: {  	_ = 	snop  }
0x6: {  	_ = 	snop  }
0x7: {  	_ = 	snop  }
__scs_overlays_trampoline_lowered:
0x8: {  	[smem:$0x3FAD] =	sst s0  }
0x9: {  	[smem:$0x3FAE] =	sst s1  }
0xa: {  	[smem:$0x3FAF] =	sst s2  }
0xb: {  	[smem:$0x3FB0] =	sst s3  }
0xc: {  	[smem:$0x3FB1] =	sst s4  }
0xd: {  	[smem:$0x3FB2] =	sst s5  }
0xe: {  	[smem:$0x3FB3] =	sst s6  }
0xf: {  	[smem:$0x3FB4] =	sst s7  }
0x10: {  	[smem:$0x3FB5] =	sst s8  }
0x11: {  	[smem:$0x3FB6] =	sst s9;
	s0 =	simm.s32 @!p0 $0x0  }
0x12: {  	s1 =	sld [smem:$0x3F9C];
	s0 =	simm.s32 @p0 $0x1  }
0x13: {  	[smem:$0x3FB7] =	sst s0;
	s0 =	simm.s32 @!p1 $0x0  }
0x14: {  	s2 =	sld [smem:$0x3F9B];
	s0 =	simm.s32 @p1 $0x1  }
0x15: {  	[smem:$0x3FB8] =	sst s0;
	s0 =	simm.s32 @!p2 $0x0  }
0x16: {  	s3 =	sld [smem:$0x3FDB];
	s0 =	simm.s32 @p2 $0x1  }
0x17: {  	s4 =	simm.s32 $0x1BF5;
	[smem:$0x3FBA] =	sst s0  }
0x18: {  	s0 =	sld [smem:$0x3F9D];
	_ =	swait.ge [sflag:s4], $0x0  }
0x19: {  	s7 =	sld [smem:$0x3F9E]  }
0x1a: {  	s8 =	sadd.s32 $0xFFFFE003, lr  }
0x1b: {  	s9 =	sadd.s32 $0xFFFFFEF7, lr;
	s5 =	simm.s32 $0xFFFFFFFF;
	p2 =	slt.u32 s8, $0xFFFFF086  }
0x1c: {  	p1 =	slt.u32 s9, $0xF7A;
	s5 =	simm.s32 @!p2 $0x0  }
0x1d: {  	s5 =	simm.s32 @p1 $0x1;
	p0 =	seq.s32 s7, s2  }
0x1e: {  	s7 =	smul.u32 @!p0 $0xF7A, s2;
	p2 =	seq.s32 @!p0 s5, $0x0  }
0x1f: {  	s9 =	smul.u32 $0xF7A, s1;
	s8 =	simm.s32 @!p0 $0x1BF5;
	p2 =	por !p2, p0  }
0x20: {  	[sflag:s8] =	ssyncset.s32 @!p0 $0xFFFFF086;
	s6 =	sadd.s32 @!p0 s3, s7;
	s7 =	simm.s32 @!p0 $0x108  }
0x21: {  	s3 =	sadd.s32 s3, s9;
	s6 =	sadd.s32 @!p0 $0x88, s6;
	s7 =	simm.s32 @p2 $0x1082  }
0x22: {  	[simem:s7], [sflag:s8] =	dma.local @!p0 [hbm:s6], $0xF7A  }
0x23: {  	s9 =	sor.u32 $0xD0000000, s2;
	s6 =	simm.s32 $0x108;
	_ =	swait.ge @!p0 [sflag:s8], $0x0  }
0x24: {  	s3 =	sadd.s32 $0x88, s3;
	s6 =	simm.s32 @!p1 $0x1082;
	[sflag:s4] =	ssyncset.s32 $0xFFFFF086  }
0x25: {  	[simem:s6], [sflag:s4] =	dma.local [hbm:s3], $0xF7A  }
0x26: {  	[smem:$0x3F9E] =	sst s1;
	(tag) =	ssettag s2;
	_ =	strace s9  }
0x27: {  	s1 =	sld [smem:$0x3FAE]  }
0x28: {  	s2 =	sld [smem:$0x3FAF]  }
0x29: {  	s4 =	sld [smem:$0x3FB1]  }
0x2a: {  	p0 =	seq.s32 s5, $0x0;
	s5 =	sld [smem:$0x3FB2]  }
0x2b: {  	s6 =	sld [smem:$0x3FB3]  }
0x2c: {  	s7 =	sld [smem:$0x3FB4]  }
0x2d: {  	s3 =	simm.s32 $0x108;
	s8 =	sld [smem:$0x3FB5]  }
0x2e: {  	s3 =	simm.s32 @!p0 $0x1082;
	s9 =	sld [smem:$0x3FB6]  }
0x2f: {  	lr =	sadd.s32 s0, s3;
	s0 =	sld [smem:$0x3FAD]  }
0x30: {  	s3 =	sld [smem:$0x3FB0]  }
0x31: {  	[smem:$0x3FB9] =	sst s10  }
0x32: {  	s10 =	sld [smem:$0x3FB7];
	_ =	sdelay $0x3  }
0x33: {  	p0 =	seq.s32 s10, $0x1;
	s10 =	sld [smem:$0x3FB9];
	_ =	sdelay $0x3  }
0x34: {  	[smem:$0x3FB9] =	sst s10  }
0x35: {  	s10 =	sld [smem:$0x3FB8];
	_ =	sdelay $0x3  }
0x36: {  	p1 =	seq.s32 s10, $0x1;
	s10 =	sld [smem:$0x3FB9];
	_ =	sdelay $0x3  }
0x37: {  	[smem:$0x3FB9] =	sst s10  }
0x38: {  	s10 =	sld [smem:$0x3FBA]  }
0x39: {  	_ = 	snop;
	(pc) =	sbr.ind lr, $3  }
0x3a: {  	_ = 	snop  }
0x3b: {  	_ = 	snop  }
0x3c: {  	p2 =	seq.s32 s10, $0x1;
	s10 =	sld [smem:$0x3FB9]  }
0x3d: {  	_ =	shalt  }
0x3e: {  	_ =	shalt  }
0x3f: {  	_ =	shalt  }
0x40: {  	_ =	shalt  }
0x41: {  	_ =	shalt  }
0x42: {  	_ =	shalt  }
0x43: {  	_ =	shalt  }
0x44: {  	_ =	shalt  }
0x45: {  	_ =	shalt  }
0x46: {  	_ =	shalt  }
0x47: {  	_ =	shalt  }
0x48: {  	_ =	shalt  }
0x49: {  	_ =	shalt  }
0x4a: {  	_ =	shalt  }
0x4b: {  	_ =	shalt  }
0x4c: {  	_ =	shalt  }
0x4d: {  	_ =	shalt  }
0x4e: {  	_ =	shalt  }
0x4f: {  	_ =	shalt  }
0x50: {  	_ =	shalt  }
0x51: {  	_ =	shalt  }
0x52: {  	_ =	shalt  }
0x53: {  	_ =	shalt  }
0x54: {  	_ =	shalt  }
0x55: {  	_ =	shalt  }
0x56: {  	_ =	shalt  }
0x57: {  	_ =	shalt  }
0x58: {  	_ =	shalt  }
0x59: {  	_ =	shalt  }
0x5a: {  	_ =	shalt  }
0x5b: {  	_ =	shalt  }
0x5c: {  	_ =	shalt  }
0x5d: {  	_ =	shalt  }
0x5e: {  	_ =	shalt  }
0x5f: {  	_ =	shalt  }
0x60: {  	_ =	shalt  }
0x61: {  	_ =	shalt  }
0x62: {  	_ =	shalt  }
0x63: {  	_ =	shalt  }
0x64: {  	_ =	shalt  }
0x65: {  	_ =	shalt  }
0x66: {  	_ =	shalt  }
0x67: {  	_ =	shalt  }
0x68: {  	_ =	shalt  }
0x69: {  	_ =	shalt  }
0x6a: {  	_ =	shalt  }
0x6b: {  	_ =	shalt  }
0x6c: {  	_ =	shalt  }
0x6d: {  	_ =	shalt  }
0x6e: {  	_ =	shalt  }
0x6f: {  	_ =	shalt  }
0x70: {  	_ =	shalt  }
0x71: {  	_ =	shalt  }
0x72: {  	_ =	shalt  }
0x73: {  	_ =	shalt  }
0x74: {  	_ =	shalt  }
0x75: {  	_ =	shalt  }
0x76: {  	_ =	shalt  }
0x77: {  	_ =	shalt  }
0x78: {  	_ =	shalt  }
0x79: {  	_ =	shalt  }
0x7a: {  	_ =	shalt  }
0x7b: {  	_ =	shalt  }
0x7c: {  	_ =	shalt  }
0x7d: {  	_ =	shalt  }
0x7e: {  	_ =	shalt  }
0x7f: {  	_ =	shalt  }
0x80: {  	_ =	shalt  }
0x81: {  	_ =	shalt  }
0x82: {  	_ =	shalt  }
0x83: {  	_ =	shalt  }
0x84: {  	_ =	shalt  }
0x85: {  	_ =	shalt  }
0x86: {  	_ =	shalt  }
0x87: {  	_ =	shalt  }
.Lfunc_end0:
.L_simem_size_0:
called_computation_lowered:
.L_overlay_start_0:
0x88: {  	s2 =	sld [smem:$0x3FD9]  }
0x89: {  	s3 =	sld [smem:$0x3FFE];
	_ =	sdelay $0x1  }
0x8a: {  	s1 =	srdreg.scid  }
0x8b: {  	s0 =	sand.u32 $0x1, s1  }
0x8c: {  	s17 =	sshll.u32 s0, $0xA;
	s2 =	sadd.s32 s3, s2  }
0x8d: {  	s2 =	sadd.s32 s2, s17  }
0x8e: {  	[smem:$0x3FC5] =	sst s2  }
0x8f: {  	_ = 	snop  }
0x90: {  	s2 =	sld [smem:$0x3FC7]  }
0x91: {  	s18 =	sld [smem:$0x3FD0];
	(tm) =	ssettm $0x1  }
0x92: {  	s4 =	sld [smem:$0x3FFB];
	_ =	sdelay $0x3  }
0x93: {  	_ =	strace s4  }
0x94: {  	s4 =	sld [smem:$0x3FFC];
	_ =	sdelay $0x3  }
0x95: {  	_ =	strace s4  }
0x96: {  	s4 =	sld [smem:$0x3FFD];
	_ =	sdelay $0x3  }
0x97: {  	_ =	strace s4  }
0x98: {  	_ =	strace $0x8FFFFFFF  }
0x99: {  	s19 =	sld [smem:$0x3FDB];
	_ =	sdelay $0x1  }
0x9a: {  	s5 =	simm.s32 $_scs_section_size  }
0x9b: {  	s6 =	simm.s32 $_size__tile_overlayer_lowered;
	s7 =	simm.s32 $_tile_overlayer_lowered  }
0x9c: {  	s22 =	simm.s32 $0x1BFF;
	s21 =	sshll.u32 s7, $0x1;
	s4 =	sadd.s32 s5, s19  }
0x9d: {  	s8 =	simm.s32 $0x0;
	s20 =	sshll.u32 s6, $0x1;
	s6 =	sadd.s32 s21, s4  }
0x9e: {  	[timem:s8], [sflag:s22] =	dma.local [hbm:s6], s20  }
0x9f: {  	_ =	swait.ge [sflag:s22], s20  }
0xa0: {  	s5 =	ssub.s32 $0x0, s20;
	[sflag:s22] =	ssyncset.done $0x0  }
0xa1: {  	[sflag:s22] =	ssyncadd.s32 s5;
	_ =	sdelay $0x1  }
0xa2: {  	s23 =	simm.s32 $0x1B8B  }
0xa3: {  	_ =	swait.ge [sflag:s23], $0x1  }
0xa4: {  	[sflag:s23] =	ssyncset.done $0x0  }
0xa5: {  	s25 =	simm.s32 $0x1B8E;
	s24 =	sld [smem:$0x3FFE];
	[sflag:s23] =	ssyncadd.s32 $0xFFFFFFFF  }
0xa6: {  	s26 =	simm.s32 $execute0_lowered;
	[smem:$0x3FD2] =	sst s25  }
0xa7: {  	s6 =	sshll.u32 s26, $0x1;
	_ =	strace $0x80000046;
	[dreg:$0x1] =	wrdreg $0xFFFFFFFF  }
0xa8: {  	s28 =	simm.s32 $_size_execute0_lowered;
	s4 =	sadd.s32 s4, s6;
	[dreg:$0x0] =	wrdreg $0x0  }
0xa9: {  	s6 =	sshll.u32 s28, $0x1;
	[dreg:$0x2] =	wrdreg s4  }
0xaa: {  	[dreg:$0x3] =	wrdreg s6  }
0xab: {  	[dreg:$0x4] =	wrdreg $0xC0  }
0xac: {  	_ =	task [dreg:s8], $0x5FFFF  }
0xad: {  	[dreg:$0x1] =	wrdreg $0xFFFFFFFF  }
0xae: {  	[dreg:$0x0] =	wrdreg $0x60  }
0xaf: {  	[dreg:$0x2] =	wrdreg s24  }
0xb0: {  	[dreg:$0x3] =	wrdreg s2  }
0xb1: {  	[dreg:$0x4] =	wrdreg s18  }
0xb2: {  	[dreg:$0x5] =	wrdreg $0x6A000  }
0xb3: {  	[dreg:$0x6] =	wrdreg $0x9  }
0xb4: {  	_ =	task.clear_ibuf [dreg:s8], $0x7FFFF;
	_ =	strace $0x90000046  }
0xb5: {  	s29 =	simm.s32 $0x9;
	_ =	strace $0x80000048  }
0xb6: {  	_ =	swait.ge [sflag:s29], $0x1  }
0xb7: {  	[sflag:s29] =	ssyncadd.s32 $0xFFFFFFFF  }
0xb8: {  	_ =	strace $0x90000048  }
0xb9: {  	_ =	sfence  }
0xba: {  	s30 =	sld [smem:$0x0];
	_ =	sdelay $0x2  }
0xbb: {  	s31 =	sshll.u32 s1, $0xD;
	s1 =	sshrl.u32 s1, $0x2  }
0xbc: {  	s3 =	sand.u32 $0x4000, s31;
	s1 =	sadd.s32 s1, s30  }
0xbd: {  	s0 =	sor.u32 s3, s0;
	s1 =	sshll.u32 s1, $0x11  }
0xbe: {  	s0 =	sor.u32 s1, s0  }
0xbf: {  	s0 =	sadd.s32 $0x8F2B, s0  }
0xc0: {  	[sflag:s0] =	ssyncadd.remote.s32 $0x1  }
0xc1: {  	_ =	sfence.sel $0xFFFF  }
0xc2: {  	[dreg:$0x0] =	wrdreg $0xFFFFFFFF;
	(pc) =	sbr.abs _section_cstart, $3  }
0xc3: {  	[dreg:$0x1] =	wrdreg $0xFFFFFFFF  }
0xc4: {  	_ =	task.clear_ibuf [dreg:s8], $0x2FFFF;
	_ =	strace $0x9FFFFFFF  }
0xc5: {  	(tm) =	ssettm $0x7FFFFFFF  }
tec
execute0_lowered:
.L_overlay_start_1:
0x0: {  	(tag) =	ssettag $0x1  }
0x1: {  	s4 =	rddreg [dreg:$0x0]  }
0x2: {  	s5 =	rddreg [dreg:$0x1]  }
0x3: {  	s1 =	srdreg.scid;
	s8 =	rddreg [dreg:$0x2]  }
0x4: {  	s0 =	stileid.u32;
	s2 =	rddreg [dreg:$0x3]  }
0x5: {  	s3 =	simm.s32 $0x0;
	s13 =	simm.s32 $0x1;
	s14 =	simm.s32 $0x0  }
0x6: {  	s6 =	sand.u32 $0x1, s1;
	s29 =	sshll.u32 s0, $0x1;
	s1 =	rddreg [dreg:$0x4]  }
0x7: {  	[smem:$0x7FF] =	sst s3;
	s10 =	smul.u32 $0x280, s0;
	s12 =	sshll.u32 s0, $0x6  }
0x8: {  	s7 =	sor.u32 s6, s29;
	s9 =	ssub.s32 $0x2, s6;
	s6 =	smul.u32 $0x2800, s6  }
0x9: {  	_ =	strace $0x80000047;
	s7 =	smul.u32 $0x6A0, s7;
	s11 =	sshrl.u32 s9, $0x1  }
0xa: {  	s30 =	sadd.s32 s10, s2;
	s31 =	sshrl.u32 s10, $0x3;
	s9 =	ssub.s32 s9, s11  }
0xb: {  	s6 =	sadd.s32 s10, s6;
	s11 =	simm.s32 $0x2;
	s7 =	sadd.s32 s7, s4  }
0xc: {  	s4 =	sadd.s32 s5, s31;
	s5 =	sor.u32 $0x1C02, s12;
	s10 =	sshrl.u32 s6, $0x3  }
0xd: {  	s9 =	smax.u32 s9, $0x1;
	s12 =	simm.s32 $0x60;
	s6 =	sadd.s32 $0x600, s7  }
0xe: {  	s7 =	sadd.s32 $0xDA00, s7;
	s8 =	sadd.s32 s8, s10;
	s10 =	sshrl.u32 s30, $0x3  }
.LBB2_1:
0xf: {  	[spmem:s10], [sflag:s5] =	dma.local [hbm:s4], $0x50  }
0x10: {  	_ =	swait.ge [sflag:s11], $0x50  }
0x11: {  	[sflag:s11] =	ssyncset.done $0x0  }
0x12: {  	[sflag:s11] =	ssyncadd.s32 $0xFFFFFFB0  }
0x13: {  	[tilespmem:s3], [sflag:$0x2] =	stream.linear.gather [hbm4b:s6+s3], $0x3500, $0x38;
	[tilespmem:$0x6C80] =	vst v63  }
0x14: {  	_ =	swait.ge [sflag:s11], $0x3500  }
0x15: {  	[sflag:s11] =	ssyncset.done $0x0  }
0x16: {  	s15 =	simm.s32 $0x3500;
	[sflag:s11] =	ssyncadd.s32 $0xFFFFCB00  }
0x17: {  	[tilespmem:s15], [sflag:$0x2] =	stream.linear.gather [hbm4b:s7+s3], $0x3500, $0x38;
	[tilespmem:$0x6C80] =	vst v63  }
0x18: {  	_ =	swait.ge [sflag:s11], $0x3500  }
0x19: {  	[sflag:s11] =	ssyncset.done $0x0  }
0x1a: {  	p0 =	por $0x1, $0x1;
	[sflag:s11] =	ssyncadd.s32 $0xFFFFCB00  }
0x1b: {  	s18 =	simm.s32 @!p0 $0x1;
	[bflag:$0x0] =	sbarrier.arrive $0xFFFF  }
0x1c: {  	[spmem:s2] =	stream.indirect.scatter.add.f32 [tilespmem:s15], [sflag:$0x1], $0x1, s3, s12, $0xb8;
	[tilespmem:$0x6C80] =	vst v63  }
0x1d: {  	_ =	swait.ge @!p0 [sflag:s18], $0x60  }
0x1e: {  	s16 =	simm.s32 $0x1;
	s17 =	simm.s32 $0x80;
	[sflag:s18] =	ssyncset.done @!p0 $0x0  }
.LBB2_2:
0x1f: {  	[sflag:s18] =	ssyncadd.s32 @!p0 $0xFFFFFFA0  }
0x20: {  	s15 =	sadd.s32 $0x80, s15;
	s18 =	smov.u32 s16;
	s16 =	sadd.s32 $0x1, s16  }
0x21: {  	p1 =	sne.s32 s16, $0x6A  }
0x22: {  	[spmem:s2] =	stream.indirect.scatter.add.f32 [tilespmem:s15], [sflag:$0x1], $0x1, s17, s12, $0xb8;
	[tilespmem:$0x6C80] =	vst v63  }
.Ltmp0:
0x23: {  	_ = 	snop;
	(pc) =	sbr.rel @p1 .LBB2_2-.Ltmp0, $4  }
0x24: {  	p0 =	slt.u32 s18, $0x8  }
0x25: {  	s18 =	simm.s32 @!p0 $0x1  }
0x26: {  	_ =	swait.ge @!p0 [sflag:s18], $0x60  }
0x27: {  	s17 =	sadd.s32 $0x80, s17;
	[sflag:s18] =	ssyncset.done @!p0 $0x0  }
0x28: {  	[sflag:s18] =	ssyncadd.s32 @!p0 $0xFFFFFFA0  }
0x29: {  	_ =	swait.ge [sflag:s13], $0x60  }
0x2a: {  	[sflag:s13] =	ssyncset.done $0x0  }
0x2b: {  	[sflag:s13] =	ssyncadd.s32 $0xFFFFFFA0  }
0x2c: {  	_ =	swait.ge [sflag:s13], $0x60  }
0x2d: {  	[sflag:s13] =	ssyncset.done $0x0  }
0x2e: {  	[sflag:s13] =	ssyncadd.s32 $0xFFFFFFA0  }
0x2f: {  	_ =	swait.ge [sflag:s13], $0x60  }
0x30: {  	[sflag:s13] =	ssyncset.done $0x0  }
0x31: {  	[sflag:s13] =	ssyncadd.s32 $0xFFFFFFA0  }
0x32: {  	_ =	swait.ge [sflag:s13], $0x60  }
0x33: {  	[sflag:s13] =	ssyncset.done $0x0  }
0x34: {  	[sflag:s13] =	ssyncadd.s32 $0xFFFFFFA0  }
0x35: {  	_ =	swait.ge [sflag:s13], $0x60  }
0x36: {  	[sflag:s13] =	ssyncset.done $0x0  }
0x37: {  	[sflag:s13] =	ssyncadd.s32 $0xFFFFFFA0  }
0x38: {  	_ =	swait.ge [sflag:s13], $0x60  }
0x39: {  	[sflag:s13] =	ssyncset.done $0x0  }
0x3a: {  	[sflag:s13] =	ssyncadd.s32 $0xFFFFFFA0  }
0x3b: {  	_ =	swait.ge [sflag:s13], $0x60  }
0x3c: {  	[sflag:s13] =	ssyncset.done $0x0  }
0x3d: {  	[sflag:s13] =	ssyncadd.s32 $0xFFFFFFA0  }
0x3e: {  	_ =	swait.ge [sflag:s13], $0x60  }
0x3f: {  	s14 =	sadd.s32 $0x1, s14;
	[sflag:s13] =	ssyncset.done $0x0  }
0x40: {  	p0 =	sne.s32 s14, s9;
	[sflag:s13] =	ssyncadd.s32 $0xFFFFFFA0  }
.Ltmp1:
0x41: {  	[bflag:$0x0] =	sbarrier.arrive $0xFFFF;
	(pc) =	sbr.rel @p0 .LBB2_1-.Ltmp1, $4  }
0x42: {  	[hbm:s8], [sflag:s5] =	dma.local [spmem:s10], $0x50  }
0x43: {  	_ =	swait.ge [sflag:s11], $0x50  }
0x44: {  	[sflag:s11] =	ssyncset.done $0x0  }
0x45: {  	[sflag:s11] =	ssyncadd.s32 $0xFFFFFFB0  }
0x46: {  	_ =	sfence.sel $0x180000  }
0x47: {  	[bflag:$0x0] =	sbarrier.arrive $0xFFFF  }
0x48: {  	p0 =	sne.s32 s0, $0x0;
	_ =	strace $0x90000047  }
0x49: {  	s0 =	sadd.s32 @!p0 $0x100000, s1;
	[bflag:$0x2] =	sbarrier.arrive $0xFFFF  }
0x4a: {  	[sflag:s0] =	ssyncadd.tile.s32 @!p0 $0x1;
	_ =	shalt  }
.Lfunc_end2:
_tile_overlayer_lowered:
.L_overlay_start_2:
0x4b: {  	(tag) =	ssettag $0x2  }
0x4c: {  	s0 =	rddreg [dreg:$0x0];
	s2 =	stileid.u32  }
0x4d: {  	s1 =	rddreg [dreg:$0x1];
	p0 =	sne.s32 s2, $0x0  }
0x4e: {  	s3 =	rddreg [dreg:$0x2];
	[bflag:$0x3] =	sbarrier.arrive $0xFFFF;
	s2 =	simm.s32 @!p0 $0x1C02  }
0x4f: {  	[timem:s3], [sflag:s2] =	dma.local @!p0 [hbm:s0], s1  }
0x50: {  	s0 =	simm.s32 @!p0 $0x2  }
0x51: {  	_ =	swait.ge @!p0 [sflag:s0], s1  }
0x52: {  	s1 =	ssub.s32 @!p0 $0x0, s1;
	[sflag:s0] =	ssyncset.done @!p0 $0x0  }
0x53: {  	[sflag:s0] =	ssyncadd.s32 @!p0 s1  }
0x54: {  	[bflag:$0x3] =	sbarrier.arrive $0xFFFF  }
0x55: {  	_ =	shalt  }

</sc_bundles>
